<compile_context>
chip_gen: v7x
topology: tpu7x:2x2x1
jax: 0.10.2.dev20260603
libtpu: 0.0.44.dev20260713+nightly
codegen_flags: <defaults>
</compile_context>

<pallas_src>
import functools

import jax
import jax.numpy as jnp
from jax import lax
from jax.experimental import pallas as pl
from jax.experimental.pallas import tpu as pltpu
from jax.experimental.pallas import tpu_sc as plsc

B, S, D = 4, 8192, 2048
L = 16
UNROLL = 16
HALF = S // 2


def _pool_body(mask_hbm, hs_hbm, out_hbm, mrow_v, idx_v, row_v, sem, sem2):
    c = lax.axis_index("c")
    s = lax.axis_index("s")

    @pl.when((c == 0) & (s < B))
    def _():
        cp1 = pltpu.async_copy(
            mask_hbm.at[s, pl.ds(0, HALF)], mrow_v.at[pl.ds(0, HALF)], sem
        )
        cp2 = pltpu.async_copy(
            mask_hbm.at[s, pl.ds(HALF, HALF)],
            mrow_v.at[pl.ds(HALF, HALF)],
            sem2,
        )

        def body(i, acc):
            base = i * (L * UNROLL)
            for u in range(UNROLL):
                acc = acc + mrow_v[pl.ds(base + u * L, L)]
            return acc

        cp1.wait()
        acc = lax.fori_loop(
            0, HALF // (L * UNROLL), body, jnp.zeros((L,), jnp.int32)
        )
        cp2.wait()
        acc = lax.fori_loop(
            HALF // (L * UNROLL), S // (L * UNROLL), body, acc
        )
        seq_len = acc[0]
        for k in range(1, L):
            seq_len = seq_len + acc[k]
        idx = s * S + seq_len - 1
        idx_v[...] = jnp.full((L,), idx, jnp.int32)

        pltpu.async_copy(hs_hbm.at[idx_v.at[pl.ds(0, 1)]], row_v, sem).wait()
        pltpu.sync_copy(row_v, out_hbm.at[pl.ds(s, 1)])


_pooled = functools.partial(
    pl.kernel,
    out_type=jax.ShapeDtypeStruct((B, D), jnp.float32),
    mesh=plsc.VectorSubcoreMesh(
        core_axis_name="c", subcore_axis_name="s", num_cores=1,
        num_subcores=B,
    ),
    scratch_types=[
        pltpu.VMEM((S,), jnp.int32),
        pltpu.VMEM((L,), jnp.int32),
        pltpu.VMEM((1, D), jnp.float32),
        pltpu.SemaphoreType.DMA,
        pltpu.SemaphoreType.DMA,
    ],
)(_pool_body)


def kernel(hidden_states, attention_mask):
    hs2 = hidden_states.reshape(B * S, D)
    mask = attention_mask.astype(jnp.int32)
    return _pooled(mask, hs2)

# --- scband reference (transcript-rebuilt; emitter-appended) ---
"""Pipeline reference for scband-last-token-pooling-20194936226222 (READ-ONLY COPY).

The authoritative reference and input builder live on the scoring server;
editing this copy changes nothing except your own understanding.
"""

import jax, jax.numpy as jnp
import numpy as np

B, S, D = 4, 8192, 2048

def setup_inputs(seed: int = 0) -> dict:
    key = jax.random.key(seed)
    k1, _ = jax.random.split(key)
    hidden_states = jax.random.normal(k1, (B, S, D), dtype=jnp.float32)
    attention_mask = jnp.ones((B, S), dtype=jnp.int64)
    return {"hidden_states": hidden_states, "attention_mask": attention_mask}

def reference(hidden_states, attention_mask):
    batch_size = hidden_states.shape[0]
    sequence_lengths = attention_mask.sum(axis=1) - 1
    return hidden_states[jnp.arange(batch_size), sequence_lengths]

if __name__ == "__main__":
    import jax
    _d = setup_inputs()
    print(jax.jit(kernel)(*tuple(_d.values())))

</pallas_src>

<mosaic_0001>
#map = affine_map<(d0, d1) -> (0, 0)>
module attributes {stable_mosaic.version = 14 : i64} {
  func.func @_pool_body(%arg0: i32, %arg1: i32, %arg2: memref<4x8192xi32, #tpu.memory_space<hbm>>, %arg3: memref<32768x2048xf32, #tpu.memory_space<hbm>>, %arg4: memref<4x2048xf32, #tpu.memory_space<hbm>>, %arg5: memref<8192xi32, #tpu.memory_space<vmem>>, %arg6: memref<16xi32, #tpu.memory_space<vmem>>, %arg7: memref<1x2048xf32, #tpu.memory_space<vmem>>, %arg8: memref<!tpu.dma_semaphore, #tpu.memory_space<semaphore_mem>>, %arg9: memref<!tpu.dma_semaphore, #tpu.memory_space<semaphore_mem>>) attributes {dimension_semantics = [#tpu.dimension_semantics<core_parallel>, #tpu.dimension_semantics<subcore_parallel>], iteration_bounds = array<i64: 1, 4>, scalar_prefetch = 0 : i64, scratch_operands = 5 : i64, tpu.core_type = #tpu.core_type<sc_vector_subcore>, window_params = [{transform_indices = #map}, {transform_indices = #map}, {transform_indices = #map}]} {
    %eq3A = arith.constant 0 : i32
    %eq3A_0 = arith.cmpi eq, %arg0, %eq3A : i32
    %lt3A = arith.constant 4 : i32
    %lt3A_1 = arith.cmpi slt, %arg1, %lt3A : i32
    %and3A = arith.andi %eq3A_0, %lt3A_1 : i1
    %convert_element_type3A = arith.extui %and3A : i1 to i32
    %cond3A = arith.constant 0 : i32
    %cond3A_2 = arith.cmpi ne, %convert_element_type3A, %cond3A : i32
    scf.if %cond3A_2 {
      %dma_start3A = arith.constant 0 : i32
      %dma_start3A_3 = tpu.memref_slice %arg5[%dma_start3A] : memref<8192xi32, #tpu.memory_space<vmem>> -> memref<4096xi32, #tpu.memory_space<vmem>>
      %dma_start3A_4 = arith.constant 0 : i32
      %dma_start3A_5 = tpu.memref_slice %arg2[%arg1, %dma_start3A_4] : memref<4x8192xi32, #tpu.memory_space<hbm>> -> memref<1x4096xi32, #tpu.memory_space<hbm>>
      %dma_start3A_6 = tpu.memref_squeeze %dma_start3A_5 : memref<1x4096xi32, #tpu.memory_space<hbm>> -> memref<4096xi32, #tpu.memory_space<hbm>>
      %dma_start3A_7 = arith.constant 0 : i32
      %dma_start3A_8 = tpu.memref_slice %arg5[%dma_start3A_7] : memref<8192xi32, #tpu.memory_space<vmem>> -> memref<4096xi32, #tpu.memory_space<vmem>>
      %dma_start3A_9 = arith.constant 0 : i32
      %dma_start3A_10 = tpu.memref_slice %arg2[%arg1, %dma_start3A_9] : memref<4x8192xi32, #tpu.memory_space<hbm>> -> memref<1x4096xi32, #tpu.memory_space<hbm>>
      %dma_start3A_11 = tpu.memref_squeeze %dma_start3A_10 : memref<1x4096xi32, #tpu.memory_space<hbm>> -> memref<4096xi32, #tpu.memory_space<hbm>>
      tpu.enqueue_dma source(%dma_start3A_11 : memref<4096xi32, #tpu.memory_space<hbm>>) target(%dma_start3A_8 : memref<4096xi32, #tpu.memory_space<vmem>>) target_semaphore(%arg8 : memref<!tpu.dma_semaphore, #tpu.memory_space<semaphore_mem>>)
      %dma_start3A_12 = arith.constant 4096 : i32
      %dma_start3A_13 = tpu.memref_slice %arg5[%dma_start3A_12] : memref<8192xi32, #tpu.memory_space<vmem>> -> memref<4096xi32, #tpu.memory_space<vmem>>
      %dma_start3A_14 = arith.constant 4096 : i32
      %dma_start3A_15 = tpu.memref_slice %arg2[%arg1, %dma_start3A_14] : memref<4x8192xi32, #tpu.memory_space<hbm>> -> memref<1x4096xi32, #tpu.memory_space<hbm>>
      %dma_start3A_16 = tpu.memref_squeeze %dma_start3A_15 : memref<1x4096xi32, #tpu.memory_space<hbm>> -> memref<4096xi32, #tpu.memory_space<hbm>>
      %dma_start3A_17 = arith.constant 4096 : i32
      %dma_start3A_18 = tpu.memref_slice %arg5[%dma_start3A_17] : memref<8192xi32, #tpu.memory_space<vmem>> -> memref<4096xi32, #tpu.memory_space<vmem>>
      %dma_start3A_19 = arith.constant 4096 : i32
      %dma_start3A_20 = tpu.memref_slice %arg2[%arg1, %dma_start3A_19] : memref<4x8192xi32, #tpu.memory_space<hbm>> -> memref<1x4096xi32, #tpu.memory_space<hbm>>
      %dma_start3A_21 = tpu.memref_squeeze %dma_start3A_20 : memref<1x4096xi32, #tpu.memory_space<hbm>> -> memref<4096xi32, #tpu.memory_space<hbm>>
      tpu.enqueue_dma source(%dma_start3A_21 : memref<4096xi32, #tpu.memory_space<hbm>>) target(%dma_start3A_18 : memref<4096xi32, #tpu.memory_space<vmem>>) target_semaphore(%arg9 : memref<!tpu.dma_semaphore, #tpu.memory_space<semaphore_mem>>)
      %dma_wait3A = arith.constant 0 : i32
      %dma_wait3A_22 = tpu.memref_slice %arg5[%dma_wait3A] : memref<8192xi32, #tpu.memory_space<vmem>> -> memref<4096xi32, #tpu.memory_space<vmem>>
      %dma_wait3A_23 = arith.constant 0 : i32
      %dma_wait3A_24 = tpu.memref_slice %arg2[%arg1, %dma_wait3A_23] : memref<4x8192xi32, #tpu.memory_space<hbm>> -> memref<1x4096xi32, #tpu.memory_space<hbm>>
      %dma_wait3A_25 = tpu.memref_squeeze %dma_wait3A_24 : memref<1x4096xi32, #tpu.memory_space<hbm>> -> memref<4096xi32, #tpu.memory_space<hbm>>
      %dma_wait3A_26 = arith.constant 0 : i32
      %dma_wait3A_27 = tpu.memref_slice %arg5[%dma_wait3A_26] : memref<8192xi32, #tpu.memory_space<vmem>> -> memref<4096xi32, #tpu.memory_space<vmem>>
      %dma_wait3A_28 = arith.constant 0 : i32
      %dma_wait3A_29 = tpu.memref_slice %arg2[%arg1, %dma_wait3A_28] : memref<4x8192xi32, #tpu.memory_space<hbm>> -> memref<1x4096xi32, #tpu.memory_space<hbm>>
      %dma_wait3A_30 = tpu.memref_squeeze %dma_wait3A_29 : memref<1x4096xi32, #tpu.memory_space<hbm>> -> memref<4096xi32, #tpu.memory_space<hbm>>
      tpu.wait_dma2 semaphore(%arg8 : memref<!tpu.dma_semaphore, #tpu.memory_space<semaphore_mem>>) src(%dma_wait3A_30 : memref<4096xi32, #tpu.memory_space<hbm>>) dst(%dma_wait3A_27 : memref<4096xi32, #tpu.memory_space<vmem>>)
      %broadcast_in_dim3A = arith.constant 0 : i32
      %broadcast_in_dim3A_31 = vector.broadcast %broadcast_in_dim3A : i32 to vector<16xi32>
      %scan3A = arith.constant 0 : i32
      %scan3A_32 = arith.constant 16 : i32
      %scan3A_33 = arith.addi %scan3A, %scan3A_32 : i32
      %scan3A_34 = arith.constant 1 : i32
      %scan3A_35 = scf.for %scan3A_114 = %scan3A to %scan3A_33 step %scan3A_34 iter_args(%scan3A_115 = %broadcast_in_dim3A_31) -> (vector<16xi32>)  : i32 {
        %mul3A_116 = arith.constant 256 : i32
        %mul3A_117 = arith.muli %scan3A_114, %mul3A_116 : i32
        %add3A_118 = arith.constant 0 : i32
        %add3A_119 = arith.addi %mul3A_117, %add3A_118 : i32
        %get3A = arith.index_cast %add3A_119 : i32 to index
        %get3A_120 = tpu.vector_load %arg5[%get3A] {strides = array<i32>} : memref<8192xi32, #tpu.memory_space<vmem>>, vector<16xi32>,
        %get3A_121 = vector.shape_cast %get3A_120 : vector<16xi32> to vector<16xi32>
        %add3A_122 = arith.addi %scan3A_115, %get3A_121 : vector<16xi32>
        %add3A_123 = arith.constant 16 : i32
        %add3A_124 = arith.addi %mul3A_117, %add3A_123 : i32
        %get3A_125 = arith.index_cast %add3A_124 : i32 to index
        %get3A_126 = tpu.vector_load %arg5[%get3A_125] {strides = array<i32>} : memref<8192xi32, #tpu.memory_space<vmem>>, vector<16xi32>,
        %get3A_127 = vector.shape_cast %get3A_126 : vector<16xi32> to vector<16xi32>
        %add3A_128 = arith.addi %add3A_122, %get3A_127 : vector<16xi32>
        %add3A_129 = arith.constant 32 : i32
        %add3A_130 = arith.addi %mul3A_117, %add3A_129 : i32
        %get3A_131 = arith.index_cast %add3A_130 : i32 to index
        %get3A_132 = tpu.vector_load %arg5[%get3A_131] {strides = array<i32>} : memref<8192xi32, #tpu.memory_space<vmem>>, vector<16xi32>,
        %get3A_133 = vector.shape_cast %get3A_132 : vector<16xi32> to vector<16xi32>
        %add3A_134 = arith.addi %add3A_128, %get3A_133 : vector<16xi32>
        %add3A_135 = arith.constant 48 : i32
        %add3A_136 = arith.addi %mul3A_117, %add3A_135 : i32
        %get3A_137 = arith.index_cast %add3A_136 : i32 to index
        %get3A_138 = tpu.vector_load %arg5[%get3A_137] {strides = array<i32>} : memref<8192xi32, #tpu.memory_space<vmem>>, vector<16xi32>,
        %get3A_139 = vector.shape_cast %get3A_138 : vector<16xi32> to vector<16xi32>
        %add3A_140 = arith.addi %add3A_134, %get3A_139 : vector<16xi32>
        %add3A_141 = arith.constant 64 : i32
        %add3A_142 = arith.addi %mul3A_117, %add3A_141 : i32
        %get3A_143 = arith.index_cast %add3A_142 : i32 to index
        %get3A_144 = tpu.vector_load %arg5[%get3A_143] {strides = array<i32>} : memref<8192xi32, #tpu.memory_space<vmem>>, vector<16xi32>,
        %get3A_145 = vector.shape_cast %get3A_144 : vector<16xi32> to vector<16xi32>
        %add3A_146 = arith.addi %add3A_140, %get3A_145 : vector<16xi32>
        %add3A_147 = arith.constant 80 : i32
        %add3A_148 = arith.addi %mul3A_117, %add3A_147 : i32
        %get3A_149 = arith.index_cast %add3A_148 : i32 to index
        %get3A_150 = tpu.vector_load %arg5[%get3A_149] {strides = array<i32>} : memref<8192xi32, #tpu.memory_space<vmem>>, vector<16xi32>,
        %get3A_151 = vector.shape_cast %get3A_150 : vector<16xi32> to vector<16xi32>
        %add3A_152 = arith.addi %add3A_146, %get3A_151 : vector<16xi32>
        %add3A_153 = arith.constant 96 : i32
        %add3A_154 = arith.addi %mul3A_117, %add3A_153 : i32
        %get3A_155 = arith.index_cast %add3A_154 : i32 to index
        %get3A_156 = tpu.vector_load %arg5[%get3A_155] {strides = array<i32>} : memref<8192xi32, #tpu.memory_space<vmem>>, vector<16xi32>,
        %get3A_157 = vector.shape_cast %get3A_156 : vector<16xi32> to vector<16xi32>
        %add3A_158 = arith.addi %add3A_152, %get3A_157 : vector<16xi32>
        %add3A_159 = arith.constant 112 : i32
        %add3A_160 = arith.addi %mul3A_117, %add3A_159 : i32
        %get3A_161 = arith.index_cast %add3A_160 : i32 to index
        %get3A_162 = tpu.vector_load %arg5[%get3A_161] {strides = array<i32>} : memref<8192xi32, #tpu.memory_space<vmem>>, vector<16xi32>,
        %get3A_163 = vector.shape_cast %get3A_162 : vector<16xi32> to vector<16xi32>
        %add3A_164 = arith.addi %add3A_158, %get3A_163 : vector<16xi32>
        %add3A_165 = arith.constant 128 : i32
        %add3A_166 = arith.addi %mul3A_117, %add3A_165 : i32
        %get3A_167 = arith.index_cast %add3A_166 : i32 to index
        %get3A_168 = tpu.vector_load %arg5[%get3A_167] {strides = array<i32>} : memref<8192xi32, #tpu.memory_space<vmem>>, vector<16xi32>,
        %get3A_169 = vector.shape_cast %get3A_168 : vector<16xi32> to vector<16xi32>
        %add3A_170 = arith.addi %add3A_164, %get3A_169 : vector<16xi32>
        %add3A_171 = arith.constant 144 : i32
        %add3A_172 = arith.addi %mul3A_117, %add3A_171 : i32
        %get3A_173 = arith.index_cast %add3A_172 : i32 to index
        %get3A_174 = tpu.vector_load %arg5[%get3A_173] {strides = array<i32>} : memref<8192xi32, #tpu.memory_space<vmem>>, vector<16xi32>,
        %get3A_175 = vector.shape_cast %get3A_174 : vector<16xi32> to vector<16xi32>
        %add3A_176 = arith.addi %add3A_170, %get3A_175 : vector<16xi32>
        %add3A_177 = arith.constant 160 : i32
        %add3A_178 = arith.addi %mul3A_117, %add3A_177 : i32
        %get3A_179 = arith.index_cast %add3A_178 : i32 to index
        %get3A_180 = tpu.vector_load %arg5[%get3A_179] {strides = array<i32>} : memref<8192xi32, #tpu.memory_space<vmem>>, vector<16xi32>,
        %get3A_181 = vector.shape_cast %get3A_180 : vector<16xi32> to vector<16xi32>
        %add3A_182 = arith.addi %add3A_176, %get3A_181 : vector<16xi32>
        %add3A_183 = arith.constant 176 : i32
        %add3A_184 = arith.addi %mul3A_117, %add3A_183 : i32
        %get3A_185 = arith.index_cast %add3A_184 : i32 to index
        %get3A_186 = tpu.vector_load %arg5[%get3A_185] {strides = array<i32>} : memref<8192xi32, #tpu.memory_space<vmem>>, vector<16xi32>,
        %get3A_187 = vector.shape_cast %get3A_186 : vector<16xi32> to vector<16xi32>
        %add3A_188 = arith.addi %add3A_182, %get3A_187 : vector<16xi32>
        %add3A_189 = arith.constant 192 : i32
        %add3A_190 = arith.addi %mul3A_117, %add3A_189 : i32
        %get3A_191 = arith.index_cast %add3A_190 : i32 to index
        %get3A_192 = tpu.vector_load %arg5[%get3A_191] {strides = array<i32>} : memref<8192xi32, #tpu.memory_space<vmem>>, vector<16xi32>,
        %get3A_193 = vector.shape_cast %get3A_192 : vector<16xi32> to vector<16xi32>
        %add3A_194 = arith.addi %add3A_188, %get3A_193 : vector<16xi32>
        %add3A_195 = arith.constant 208 : i32
        %add3A_196 = arith.addi %mul3A_117, %add3A_195 : i32
        %get3A_197 = arith.index_cast %add3A_196 : i32 to index
        %get3A_198 = tpu.vector_load %arg5[%get3A_197] {strides = array<i32>} : memref<8192xi32, #tpu.memory_space<vmem>>, vector<16xi32>,
        %get3A_199 = vector.shape_cast %get3A_198 : vector<16xi32> to vector<16xi32>
        %add3A_200 = arith.addi %add3A_194, %get3A_199 : vector<16xi32>
        %add3A_201 = arith.constant 224 : i32
        %add3A_202 = arith.addi %mul3A_117, %add3A_201 : i32
        %get3A_203 = arith.index_cast %add3A_202 : i32 to index
        %get3A_204 = tpu.vector_load %arg5[%get3A_203] {strides = array<i32>} : memref<8192xi32, #tpu.memory_space<vmem>>, vector<16xi32>,
        %get3A_205 = vector.shape_cast %get3A_204 : vector<16xi32> to vector<16xi32>
        %add3A_206 = arith.addi %add3A_200, %get3A_205 : vector<16xi32>
        %add3A_207 = arith.constant 240 : i32
        %add3A_208 = arith.addi %mul3A_117, %add3A_207 : i32
        %get3A_209 = arith.index_cast %add3A_208 : i32 to index
        %get3A_210 = tpu.vector_load %arg5[%get3A_209] {strides = array<i32>} : memref<8192xi32, #tpu.memory_space<vmem>>, vector<16xi32>,
        %get3A_211 = vector.shape_cast %get3A_210 : vector<16xi32> to vector<16xi32>
        %add3A_212 = arith.addi %add3A_206, %get3A_211 : vector<16xi32>
        scf.yield %add3A_212 : vector<16xi32>
      }
      %scan3A_36 = arith.constant 16 : i32
      %dma_wait3A_37 = arith.constant 4096 : i32
      %dma_wait3A_38 = tpu.memref_slice %arg5[%dma_wait3A_37] : memref<8192xi32, #tpu.memory_space<vmem>> -> memref<4096xi32, #tpu.memory_space<vmem>>
      %dma_wait3A_39 = arith.constant 4096 : i32
      %dma_wait3A_40 = tpu.memref_slice %arg2[%arg1, %dma_wait3A_39] : memref<4x8192xi32, #tpu.memory_space<hbm>> -> memref<1x4096xi32, #tpu.memory_space<hbm>>
      %dma_wait3A_41 = tpu.memref_squeeze %dma_wait3A_40 : memref<1x4096xi32, #tpu.memory_space<hbm>> -> memref<4096xi32, #tpu.memory_space<hbm>>
      %dma_wait3A_42 = arith.constant 4096 : i32
      %dma_wait3A_43 = tpu.memref_slice %arg5[%dma_wait3A_42] : memref<8192xi32, #tpu.memory_space<vmem>> -> memref<4096xi32, #tpu.memory_space<vmem>>
      %dma_wait3A_44 = arith.constant 4096 : i32
      %dma_wait3A_45 = tpu.memref_slice %arg2[%arg1, %dma_wait3A_44] : memref<4x8192xi32, #tpu.memory_space<hbm>> -> memref<1x4096xi32, #tpu.memory_space<hbm>>
      %dma_wait3A_46 = tpu.memref_squeeze %dma_wait3A_45 : memref<1x4096xi32, #tpu.memory_space<hbm>> -> memref<4096xi32, #tpu.memory_space<hbm>>
      tpu.wait_dma2 semaphore(%arg9 : memref<!tpu.dma_semaphore, #tpu.memory_space<semaphore_mem>>) src(%dma_wait3A_46 : memref<4096xi32, #tpu.memory_space<hbm>>) dst(%dma_wait3A_43 : memref<4096xi32, #tpu.memory_space<vmem>>)
      %scan3A_47 = arith.constant 16 : i32
      %scan3A_48 = arith.constant 16 : i32
      %scan3A_49 = arith.addi %scan3A_47, %scan3A_48 : i32
      %scan3A_50 = arith.constant 1 : i32
      %scan3A_51 = scf.for %scan3A_114 = %scan3A_47 to %scan3A_49 step %scan3A_50 iter_args(%scan3A_115 = %scan3A_35) -> (vector<16xi32>)  : i32 {
        %mul3A_116 = arith.constant 256 : i32
        %mul3A_117 = arith.muli %scan3A_114, %mul3A_116 : i32
        %add3A_118 = arith.constant 0 : i32
        %add3A_119 = arith.addi %mul3A_117, %add3A_118 : i32
        %get3A = arith.index_cast %add3A_119 : i32 to index
        %get3A_120 = tpu.vector_load %arg5[%get3A] {strides = array<i32>} : memref<8192xi32, #tpu.memory_space<vmem>>, vector<16xi32>,
        %get3A_121 = vector.shape_cast %get3A_120 : vector<16xi32> to vector<16xi32>
        %add3A_122 = arith.addi %scan3A_115, %get3A_121 : vector<16xi32>
        %add3A_123 = arith.constant 16 : i32
        %add3A_124 = arith.addi %mul3A_117, %add3A_123 : i32
        %get3A_125 = arith.index_cast %add3A_124 : i32 to index
        %get3A_126 = tpu.vector_load %arg5[%get3A_125] {strides = array<i32>} : memref<8192xi32, #tpu.memory_space<vmem>>, vector<16xi32>,
        %get3A_127 = vector.shape_cast %get3A_126 : vector<16xi32> to vector<16xi32>
        %add3A_128 = arith.addi %add3A_122, %get3A_127 : vector<16xi32>
        %add3A_129 = arith.constant 32 : i32
        %add3A_130 = arith.addi %mul3A_117, %add3A_129 : i32
        %get3A_131 = arith.index_cast %add3A_130 : i32 to index
        %get3A_132 = tpu.vector_load %arg5[%get3A_131] {strides = array<i32>} : memref<8192xi32, #tpu.memory_space<vmem>>, vector<16xi32>,
        %get3A_133 = vector.shape_cast %get3A_132 : vector<16xi32> to vector<16xi32>
        %add3A_134 = arith.addi %add3A_128, %get3A_133 : vector<16xi32>
        %add3A_135 = arith.constant 48 : i32
        %add3A_136 = arith.addi %mul3A_117, %add3A_135 : i32
        %get3A_137 = arith.index_cast %add3A_136 : i32 to index
        %get3A_138 = tpu.vector_load %arg5[%get3A_137] {strides = array<i32>} : memref<8192xi32, #tpu.memory_space<vmem>>, vector<16xi32>,
        %get3A_139 = vector.shape_cast %get3A_138 : vector<16xi32> to vector<16xi32>
        %add3A_140 = arith.addi %add3A_134, %get3A_139 : vector<16xi32>
        %add3A_141 = arith.constant 64 : i32
        %add3A_142 = arith.addi %mul3A_117, %add3A_141 : i32
        %get3A_143 = arith.index_cast %add3A_142 : i32 to index
        %get3A_144 = tpu.vector_load %arg5[%get3A_143] {strides = array<i32>} : memref<8192xi32, #tpu.memory_space<vmem>>, vector<16xi32>,
        %get3A_145 = vector.shape_cast %get3A_144 : vector<16xi32> to vector<16xi32>
        %add3A_146 = arith.addi %add3A_140, %get3A_145 : vector<16xi32>
        %add3A_147 = arith.constant 80 : i32
        %add3A_148 = arith.addi %mul3A_117, %add3A_147 : i32
        %get3A_149 = arith.index_cast %add3A_148 : i32 to index
        %get3A_150 = tpu.vector_load %arg5[%get3A_149] {strides = array<i32>} : memref<8192xi32, #tpu.memory_space<vmem>>, vector<16xi32>,
        %get3A_151 = vector.shape_cast %get3A_150 : vector<16xi32> to vector<16xi32>
        %add3A_152 = arith.addi %add3A_146, %get3A_151 : vector<16xi32>
        %add3A_153 = arith.constant 96 : i32
        %add3A_154 = arith.addi %mul3A_117, %add3A_153 : i32
        %get3A_155 = arith.index_cast %add3A_154 : i32 to index
        %get3A_156 = tpu.vector_load %arg5[%get3A_155] {strides = array<i32>} : memref<8192xi32, #tpu.memory_space<vmem>>, vector<16xi32>,
        %get3A_157 = vector.shape_cast %get3A_156 : vector<16xi32> to vector<16xi32>
        %add3A_158 = arith.addi %add3A_152, %get3A_157 : vector<16xi32>
        %add3A_159 = arith.constant 112 : i32
        %add3A_160 = arith.addi %mul3A_117, %add3A_159 : i32
        %get3A_161 = arith.index_cast %add3A_160 : i32 to index
        %get3A_162 = tpu.vector_load %arg5[%get3A_161] {strides = array<i32>} : memref<8192xi32, #tpu.memory_space<vmem>>, vector<16xi32>,
        %get3A_163 = vector.shape_cast %get3A_162 : vector<16xi32> to vector<16xi32>
        %add3A_164 = arith.addi %add3A_158, %get3A_163 : vector<16xi32>
        %add3A_165 = arith.constant 128 : i32
        %add3A_166 = arith.addi %mul3A_117, %add3A_165 : i32
        %get3A_167 = arith.index_cast %add3A_166 : i32 to index
        %get3A_168 = tpu.vector_load %arg5[%get3A_167] {strides = array<i32>} : memref<8192xi32, #tpu.memory_space<vmem>>, vector<16xi32>,
        %get3A_169 = vector.shape_cast %get3A_168 : vector<16xi32> to vector<16xi32>
        %add3A_170 = arith.addi %add3A_164, %get3A_169 : vector<16xi32>
        %add3A_171 = arith.constant 144 : i32
        %add3A_172 = arith.addi %mul3A_117, %add3A_171 : i32
        %get3A_173 = arith.index_cast %add3A_172 : i32 to index
        %get3A_174 = tpu.vector_load %arg5[%get3A_173] {strides = array<i32>} : memref<8192xi32, #tpu.memory_space<vmem>>, vector<16xi32>,
        %get3A_175 = vector.shape_cast %get3A_174 : vector<16xi32> to vector<16xi32>
        %add3A_176 = arith.addi %add3A_170, %get3A_175 : vector<16xi32>
        %add3A_177 = arith.constant 160 : i32
        %add3A_178 = arith.addi %mul3A_117, %add3A_177 : i32
        %get3A_179 = arith.index_cast %add3A_178 : i32 to index
        %get3A_180 = tpu.vector_load %arg5[%get3A_179] {strides = array<i32>} : memref<8192xi32, #tpu.memory_space<vmem>>, vector<16xi32>,
        %get3A_181 = vector.shape_cast %get3A_180 : vector<16xi32> to vector<16xi32>
        %add3A_182 = arith.addi %add3A_176, %get3A_181 : vector<16xi32>
        %add3A_183 = arith.constant 176 : i32
        %add3A_184 = arith.addi %mul3A_117, %add3A_183 : i32
        %get3A_185 = arith.index_cast %add3A_184 : i32 to index
        %get3A_186 = tpu.vector_load %arg5[%get3A_185] {strides = array<i32>} : memref<8192xi32, #tpu.memory_space<vmem>>, vector<16xi32>,
        %get3A_187 = vector.shape_cast %get3A_186 : vector<16xi32> to vector<16xi32>
        %add3A_188 = arith.addi %add3A_182, %get3A_187 : vector<16xi32>
        %add3A_189 = arith.constant 192 : i32
        %add3A_190 = arith.addi %mul3A_117, %add3A_189 : i32
        %get3A_191 = arith.index_cast %add3A_190 : i32 to index
        %get3A_192 = tpu.vector_load %arg5[%get3A_191] {strides = array<i32>} : memref<8192xi32, #tpu.memory_space<vmem>>, vector<16xi32>,
        %get3A_193 = vector.shape_cast %get3A_192 : vector<16xi32> to vector<16xi32>
        %add3A_194 = arith.addi %add3A_188, %get3A_193 : vector<16xi32>
        %add3A_195 = arith.constant 208 : i32
        %add3A_196 = arith.addi %mul3A_117, %add3A_195 : i32
        %get3A_197 = arith.index_cast %add3A_196 : i32 to index
        %get3A_198 = tpu.vector_load %arg5[%get3A_197] {strides = array<i32>} : memref<8192xi32, #tpu.memory_space<vmem>>, vector<16xi32>,
        %get3A_199 = vector.shape_cast %get3A_198 : vector<16xi32> to vector<16xi32>
        %add3A_200 = arith.addi %add3A_194, %get3A_199 : vector<16xi32>
        %add3A_201 = arith.constant 224 : i32
        %add3A_202 = arith.addi %mul3A_117, %add3A_201 : i32
        %get3A_203 = arith.index_cast %add3A_202 : i32 to index
        %get3A_204 = tpu.vector_load %arg5[%get3A_203] {strides = array<i32>} : memref<8192xi32, #tpu.memory_space<vmem>>, vector<16xi32>,
        %get3A_205 = vector.shape_cast %get3A_204 : vector<16xi32> to vector<16xi32>
        %add3A_206 = arith.addi %add3A_200, %get3A_205 : vector<16xi32>
        %add3A_207 = arith.constant 240 : i32
        %add3A_208 = arith.addi %mul3A_117, %add3A_207 : i32
        %get3A_209 = arith.index_cast %add3A_208 : i32 to index
        %get3A_210 = tpu.vector_load %arg5[%get3A_209] {strides = array<i32>} : memref<8192xi32, #tpu.memory_space<vmem>>, vector<16xi32>,
        %get3A_211 = vector.shape_cast %get3A_210 : vector<16xi32> to vector<16xi32>
        %add3A_212 = arith.addi %add3A_206, %get3A_211 : vector<16xi32>
        scf.yield %add3A_212 : vector<16xi32>
      }
      %scan3A_52 = arith.constant 16 : i32
      %slice3A = vector.extract_strided_slice %scan3A_51 {offsets = [0], sizes = [1], strides = [1]} : vector<16xi32> to vector<1xi32>
      %squeeze3A = vector.extract %slice3A[0] : i32 from vector<1xi32>
      %slice3A_53 = vector.extract_strided_slice %scan3A_51 {offsets = [1], sizes = [1], strides = [1]} : vector<16xi32> to vector<1xi32>
      %squeeze3A_54 = vector.extract %slice3A_53[0] : i32 from vector<1xi32>
      %add3A = arith.addi %squeeze3A, %squeeze3A_54 : i32
      %slice3A_55 = vector.extract_strided_slice %scan3A_51 {offsets = [2], sizes = [1], strides = [1]} : vector<16xi32> to vector<1xi32>
      %squeeze3A_56 = vector.extract %slice3A_55[0] : i32 from vector<1xi32>
      %add3A_57 = arith.addi %add3A, %squeeze3A_56 : i32
      %slice3A_58 = vector.extract_strided_slice %scan3A_51 {offsets = [3], sizes = [1], strides = [1]} : vector<16xi32> to vector<1xi32>
      %squeeze3A_59 = vector.extract %slice3A_58[0] : i32 from vector<1xi32>
      %add3A_60 = arith.addi %add3A_57, %squeeze3A_59 : i32
      %slice3A_61 = vector.extract_strided_slice %scan3A_51 {offsets = [4], sizes = [1], strides = [1]} : vector<16xi32> to vector<1xi32>
      %squeeze3A_62 = vector.extract %slice3A_61[0] : i32 from vector<1xi32>
      %add3A_63 = arith.addi %add3A_60, %squeeze3A_62 : i32
      %slice3A_64 = vector.extract_strided_slice %scan3A_51 {offsets = [5], sizes = [1], strides = [1]} : vector<16xi32> to vector<1xi32>
      %squeeze3A_65 = vector.extract %slice3A_64[0] : i32 from vector<1xi32>
      %add3A_66 = arith.addi %add3A_63, %squeeze3A_65 : i32
      %slice3A_67 = vector.extract_strided_slice %scan3A_51 {offsets = [6], sizes = [1], strides = [1]} : vector<16xi32> to vector<1xi32>
      %squeeze3A_68 = vector.extract %slice3A_67[0] : i32 from vector<1xi32>
      %add3A_69 = arith.addi %add3A_66, %squeeze3A_68 : i32
      %slice3A_70 = vector.extract_strided_slice %scan3A_51 {offsets = [7], sizes = [1], strides = [1]} : vector<16xi32> to vector<1xi32>
      %squeeze3A_71 = vector.extract %slice3A_70[0] : i32 from vector<1xi32>
      %add3A_72 = arith.addi %add3A_69, %squeeze3A_71 : i32
      %slice3A_73 = vector.extract_strided_slice %scan3A_51 {offsets = [8], sizes = [1], strides = [1]} : vector<16xi32> to vector<1xi32>
      %squeeze3A_74 = vector.extract %slice3A_73[0] : i32 from vector<1xi32>
      %add3A_75 = arith.addi %add3A_72, %squeeze3A_74 : i32
      %slice3A_76 = vector.extract_strided_slice %scan3A_51 {offsets = [9], sizes = [1], strides = [1]} : vector<16xi32> to vector<1xi32>
      %squeeze3A_77 = vector.extract %slice3A_76[0] : i32 from vector<1xi32>
      %add3A_78 = arith.addi %add3A_75, %squeeze3A_77 : i32
      %slice3A_79 = vector.extract_strided_slice %scan3A_51 {offsets = [10], sizes = [1], strides = [1]} : vector<16xi32> to vector<1xi32>
      %squeeze3A_80 = vector.extract %slice3A_79[0] : i32 from vector<1xi32>
      %add3A_81 = arith.addi %add3A_78, %squeeze3A_80 : i32
      %slice3A_82 = vector.extract_strided_slice %scan3A_51 {offsets = [11], sizes = [1], strides = [1]} : vector<16xi32> to vector<1xi32>
      %squeeze3A_83 = vector.extract %slice3A_82[0] : i32 from vector<1xi32>
      %add3A_84 = arith.addi %add3A_81, %squeeze3A_83 : i32
      %slice3A_85 = vector.extract_strided_slice %scan3A_51 {offsets = [12], sizes = [1], strides = [1]} : vector<16xi32> to vector<1xi32>
      %squeeze3A_86 = vector.extract %slice3A_85[0] : i32 from vector<1xi32>
      %add3A_87 = arith.addi %add3A_84, %squeeze3A_86 : i32
      %slice3A_88 = vector.extract_strided_slice %scan3A_51 {offsets = [13], sizes = [1], strides = [1]} : vector<16xi32> to vector<1xi32>
      %squeeze3A_89 = vector.extract %slice3A_88[0] : i32 from vector<1xi32>
      %add3A_90 = arith.addi %add3A_87, %squeeze3A_89 : i32
      %slice3A_91 = vector.extract_strided_slice %scan3A_51 {offsets = [14], sizes = [1], strides = [1]} : vector<16xi32> to vector<1xi32>
      %squeeze3A_92 = vector.extract %slice3A_91[0] : i32 from vector<1xi32>
      %add3A_93 = arith.addi %add3A_90, %squeeze3A_92 : i32
      %slice3A_94 = vector.extract_strided_slice %scan3A_51 {offsets = [15], sizes = [1], strides = [1]} : vector<16xi32> to vector<1xi32>
      %squeeze3A_95 = vector.extract %slice3A_94[0] : i32 from vector<1xi32>
      %add3A_96 = arith.addi %add3A_93, %squeeze3A_95 : i32
      %mul3A = arith.constant 8192 : i32
      %mul3A_97 = arith.muli %arg1, %mul3A : i32
      %add3A_98 = arith.addi %mul3A_97, %add3A_96 : i32
      %sub3A = arith.constant 1 : i32
      %sub3A_99 = arith.subi %add3A_98, %sub3A : i32
      %broadcast_in_dim3A_100 = vector.broadcast %sub3A_99 : i32 to vector<16xi32>
      %swap3A = arith.constant 0 : index
      %swap3A_101 = tpu.vector_load %arg6[%swap3A] {strides = array<i32>} : memref<16xi32, #tpu.memory_space<vmem>>, vector<16xi32>,
      %swap3A_102 = vector.shape_cast %swap3A_101 : vector<16xi32> to vector<16xi32>
      %swap3A_103 = vector.shape_cast %broadcast_in_dim3A_100 : vector<16xi32> to vector<16xi32>
      tpu.vector_store %arg6[%swap3A], %swap3A_103 {strides = array<i32>} : memref<16xi32, #tpu.memory_space<vmem>>, vector<16xi32>,
      %dma_start3A_104 = arith.constant 0 : i32
      %dma_start3A_105 = tpu.memref_slice %arg6[%dma_start3A_104] : memref<16xi32, #tpu.memory_space<vmem>> -> memref<1xi32, #tpu.memory_space<vmem>>
      %dma_start3A_106 = arith.constant 0 : i32
      %dma_start3A_107 = arith.constant 0 : i32
      %dma_start3A_108 = tpu.memref_slice %arg3[%dma_start3A_106, %dma_start3A_107] : memref<32768x2048xf32, #tpu.memory_space<hbm>> -> memref<32768x2048xf32, #tpu.memory_space<hbm>>
      tpu.enqueue_indirect_dma source(%dma_start3A_108 : memref<32768x2048xf32, #tpu.memory_space<hbm>>) target(%arg7 : memref<1x2048xf32, #tpu.memory_space<vmem>>) offsets(%dma_start3A_105 : memref<1xi32, #tpu.memory_space<vmem>>) semaphore(%arg8 : memref<!tpu.dma_semaphore, #tpu.memory_space<semaphore_mem>>)
      %dma_wait3A_109 = arith.constant 0 : i32
      %dma_wait3A_110 = tpu.memref_slice %arg6[%dma_wait3A_109] : memref<16xi32, #tpu.memory_space<vmem>> -> memref<1xi32, #tpu.memory_space<vmem>>
      %dma_wait3A_111 = arith.constant 0 : i32
      %dma_wait3A_112 = arith.constant 0 : i32
      %dma_wait3A_113 = tpu.memref_slice %arg3[%dma_wait3A_111, %dma_wait3A_112] : memref<32768x2048xf32, #tpu.memory_space<hbm>> -> memref<32768x2048xf32, #tpu.memory_space<hbm>>
      tpu.wait_indirect_dma semaphore(%arg8 : memref<!tpu.dma_semaphore, #tpu.memory_space<semaphore_mem>>) src(%dma_wait3A_113 : memref<32768x2048xf32, #tpu.memory_space<hbm>>) dst(%arg7 : memref<1x2048xf32, #tpu.memory_space<vmem>>)
      "tpu.region"() ({
        %run_scoped3A = tpu.sem_alloc : memref<!tpu.dma_semaphore, #tpu.memory_space<semaphore_mem>>
        %dma_start3A_114 = arith.constant 0 : i32
        %dma_start3A_115 = tpu.memref_slice %arg4[%arg1, %dma_start3A_114] : memref<4x2048xf32, #tpu.memory_space<hbm>> -> memref<1x2048xf32, #tpu.memory_space<hbm>>
        %dma_start3A_116 = arith.constant 0 : i32
        %dma_start3A_117 = tpu.memref_slice %arg4[%arg1, %dma_start3A_116] : memref<4x2048xf32, #tpu.memory_space<hbm>> -> memref<1x2048xf32, #tpu.memory_space<hbm>>
        tpu.enqueue_dma source(%arg7 : memref<1x2048xf32, #tpu.memory_space<vmem>>) target(%dma_start3A_117 : memref<1x2048xf32, #tpu.memory_space<hbm>>) target_semaphore(%run_scoped3A : memref<!tpu.dma_semaphore, #tpu.memory_space<semaphore_mem>>)
        %dma_wait3A_118 = arith.constant 0 : i32
        %dma_wait3A_119 = tpu.memref_slice %arg4[%arg1, %dma_wait3A_118] : memref<4x2048xf32, #tpu.memory_space<hbm>> -> memref<1x2048xf32, #tpu.memory_space<hbm>>
        %dma_wait3A_120 = arith.constant 0 : i32
        %dma_wait3A_121 = tpu.memref_slice %arg4[%arg1, %dma_wait3A_120] : memref<4x2048xf32, #tpu.memory_space<hbm>> -> memref<1x2048xf32, #tpu.memory_space<hbm>>
        tpu.wait_dma2 semaphore(%run_scoped3A : memref<!tpu.dma_semaphore, #tpu.memory_space<semaphore_mem>>) src(%arg7 : memref<1x2048xf32, #tpu.memory_space<vmem>>) dst(%dma_wait3A_121 : memref<1x2048xf32, #tpu.memory_space<hbm>>)
        tpu.yield
      }) : () -> ()
    } else {
    }
    return
  }
}

</mosaic_0001>

<sc_bundles>
// kernel: kernel.3.cloned.1.call-start
scs
__scs_entry_jumppad:
0x0: {  	(pc) =	sbr.rel $0x88, $3  }
0x1: {  	(tag) =	ssettag $0x0;
	lr =	simm.s32 $0x1  }
0x2: {  	[smem:$0x3F9F] =	sst lr;
	_ =	strace $0xD0000000  }
0x3: {  	_ = 	snop  }
0x4: {  	_ = 	snop  }
0x5: {  	_ = 	snop  }
0x6: {  	_ = 	snop  }
0x7: {  	_ = 	snop  }
__scs_overlays_trampoline_lowered:
0x8: {  	[smem:$0x3FAE] =	sst s0  }
0x9: {  	[smem:$0x3FAF] =	sst s1  }
0xa: {  	[smem:$0x3FB0] =	sst s2  }
0xb: {  	[smem:$0x3FB1] =	sst s3  }
0xc: {  	[smem:$0x3FB2] =	sst s4  }
0xd: {  	[smem:$0x3FB3] =	sst s5  }
0xe: {  	[smem:$0x3FB4] =	sst s6  }
0xf: {  	[smem:$0x3FB5] =	sst s7  }
0x10: {  	[smem:$0x3FB6] =	sst s8  }
0x11: {  	[smem:$0x3FB7] =	sst s9;
	s0 =	simm.s32 @!p0 $0x0  }
0x12: {  	s1 =	sld [smem:$0x3F9D];
	s0 =	simm.s32 @p0 $0x1  }
0x13: {  	[smem:$0x3FB8] =	sst s0;
	s0 =	simm.s32 @!p1 $0x0  }
0x14: {  	s2 =	sld [smem:$0x3F9C];
	s0 =	simm.s32 @p1 $0x1  }
0x15: {  	[smem:$0x3FB9] =	sst s0;
	s0 =	simm.s32 @!p2 $0x0  }
0x16: {  	s3 =	sld [smem:$0x3FDB];
	s0 =	simm.s32 @p2 $0x1  }
0x17: {  	s4 =	simm.s32 $0x1BF5;
	[smem:$0x3FBB] =	sst s0  }
0x18: {  	s0 =	sld [smem:$0x3F9E];
	_ =	swait.ge [sflag:s4], $0x0  }
0x19: {  	s7 =	sld [smem:$0x3F9F]  }
0x1a: {  	s8 =	sadd.s32 $0xFFFFE003, lr  }
0x1b: {  	s9 =	sadd.s32 $0xFFFFFEF7, lr;
	s5 =	simm.s32 $0xFFFFFFFF;
	p2 =	slt.u32 s8, $0xFFFFF086  }
0x1c: {  	p1 =	slt.u32 s9, $0xF7A;
	s5 =	simm.s32 @!p2 $0x0  }
0x1d: {  	s5 =	simm.s32 @p1 $0x1;
	p0 =	seq.s32 s7, s2  }
0x1e: {  	s7 =	smul.u32 @!p0 $0xF7A, s2;
	p2 =	seq.s32 @!p0 s5, $0x0  }
0x1f: {  	s9 =	smul.u32 $0xF7A, s1;
	s8 =	simm.s32 @!p0 $0x1BF5;
	p2 =	por !p2, p0  }
0x20: {  	[sflag:s8] =	ssyncset.s32 @!p0 $0xFFFFF086;
	s6 =	sadd.s32 @!p0 s3, s7;
	s7 =	simm.s32 @!p0 $0x108  }
0x21: {  	s3 =	sadd.s32 s3, s9;
	s6 =	sadd.s32 @!p0 $0x88, s6;
	s7 =	simm.s32 @p2 $0x1082  }
0x22: {  	[simem:s7], [sflag:s8] =	dma.local @!p0 [hbm:s6], $0xF7A  }
0x23: {  	s9 =	sor.u32 $0xD0000000, s2;
	s6 =	simm.s32 $0x108;
	_ =	swait.ge @!p0 [sflag:s8], $0x0  }
0x24: {  	s3 =	sadd.s32 $0x88, s3;
	s6 =	simm.s32 @!p1 $0x1082;
	[sflag:s4] =	ssyncset.s32 $0xFFFFF086  }
0x25: {  	[simem:s6], [sflag:s4] =	dma.local [hbm:s3], $0xF7A  }
0x26: {  	[smem:$0x3F9F] =	sst s1;
	(tag) =	ssettag s2;
	_ =	strace s9  }
0x27: {  	s1 =	sld [smem:$0x3FAF]  }
0x28: {  	s2 =	sld [smem:$0x3FB0]  }
0x29: {  	s4 =	sld [smem:$0x3FB2]  }
0x2a: {  	p0 =	seq.s32 s5, $0x0;
	s5 =	sld [smem:$0x3FB3]  }
0x2b: {  	s6 =	sld [smem:$0x3FB4]  }
0x2c: {  	s7 =	sld [smem:$0x3FB5]  }
0x2d: {  	s3 =	simm.s32 $0x108;
	s8 =	sld [smem:$0x3FB6]  }
0x2e: {  	s3 =	simm.s32 @!p0 $0x1082;
	s9 =	sld [smem:$0x3FB7]  }
0x2f: {  	lr =	sadd.s32 s0, s3;
	s0 =	sld [smem:$0x3FAE]  }
0x30: {  	s3 =	sld [smem:$0x3FB1]  }
0x31: {  	[smem:$0x3FBA] =	sst s10  }
0x32: {  	s10 =	sld [smem:$0x3FB8];
	_ =	sdelay $0x3  }
0x33: {  	p0 =	seq.s32 s10, $0x1;
	s10 =	sld [smem:$0x3FBA];
	_ =	sdelay $0x3  }
0x34: {  	[smem:$0x3FBA] =	sst s10  }
0x35: {  	s10 =	sld [smem:$0x3FB9];
	_ =	sdelay $0x3  }
0x36: {  	p1 =	seq.s32 s10, $0x1;
	s10 =	sld [smem:$0x3FBA];
	_ =	sdelay $0x3  }
0x37: {  	[smem:$0x3FBA] =	sst s10  }
0x38: {  	s10 =	sld [smem:$0x3FBB]  }
0x39: {  	_ = 	snop;
	(pc) =	sbr.ind lr, $3  }
0x3a: {  	_ = 	snop  }
0x3b: {  	_ = 	snop  }
0x3c: {  	p2 =	seq.s32 s10, $0x1;
	s10 =	sld [smem:$0x3FBA]  }
0x3d: {  	_ =	shalt  }
0x3e: {  	_ =	shalt  }
0x3f: {  	_ =	shalt  }
0x40: {  	_ =	shalt  }
0x41: {  	_ =	shalt  }
0x42: {  	_ =	shalt  }
0x43: {  	_ =	shalt  }
0x44: {  	_ =	shalt  }
0x45: {  	_ =	shalt  }
0x46: {  	_ =	shalt  }
0x47: {  	_ =	shalt  }
0x48: {  	_ =	shalt  }
0x49: {  	_ =	shalt  }
0x4a: {  	_ =	shalt  }
0x4b: {  	_ =	shalt  }
0x4c: {  	_ =	shalt  }
0x4d: {  	_ =	shalt  }
0x4e: {  	_ =	shalt  }
0x4f: {  	_ =	shalt  }
0x50: {  	_ =	shalt  }
0x51: {  	_ =	shalt  }
0x52: {  	_ =	shalt  }
0x53: {  	_ =	shalt  }
0x54: {  	_ =	shalt  }
0x55: {  	_ =	shalt  }
0x56: {  	_ =	shalt  }
0x57: {  	_ =	shalt  }
0x58: {  	_ =	shalt  }
0x59: {  	_ =	shalt  }
0x5a: {  	_ =	shalt  }
0x5b: {  	_ =	shalt  }
0x5c: {  	_ =	shalt  }
0x5d: {  	_ =	shalt  }
0x5e: {  	_ =	shalt  }
0x5f: {  	_ =	shalt  }
0x60: {  	_ =	shalt  }
0x61: {  	_ =	shalt  }
0x62: {  	_ =	shalt  }
0x63: {  	_ =	shalt  }
0x64: {  	_ =	shalt  }
0x65: {  	_ =	shalt  }
0x66: {  	_ =	shalt  }
0x67: {  	_ =	shalt  }
0x68: {  	_ =	shalt  }
0x69: {  	_ =	shalt  }
0x6a: {  	_ =	shalt  }
0x6b: {  	_ =	shalt  }
0x6c: {  	_ =	shalt  }
0x6d: {  	_ =	shalt  }
0x6e: {  	_ =	shalt  }
0x6f: {  	_ =	shalt  }
0x70: {  	_ =	shalt  }
0x71: {  	_ =	shalt  }
0x72: {  	_ =	shalt  }
0x73: {  	_ =	shalt  }
0x74: {  	_ =	shalt  }
0x75: {  	_ =	shalt  }
0x76: {  	_ =	shalt  }
0x77: {  	_ =	shalt  }
0x78: {  	_ =	shalt  }
0x79: {  	_ =	shalt  }
0x7a: {  	_ =	shalt  }
0x7b: {  	_ =	shalt  }
0x7c: {  	_ =	shalt  }
0x7d: {  	_ =	shalt  }
0x7e: {  	_ =	shalt  }
0x7f: {  	_ =	shalt  }
0x80: {  	_ =	shalt  }
0x81: {  	_ =	shalt  }
0x82: {  	_ =	shalt  }
0x83: {  	_ =	shalt  }
0x84: {  	_ =	shalt  }
0x85: {  	_ =	shalt  }
0x86: {  	_ =	shalt  }
0x87: {  	_ =	shalt  }
.Lfunc_end0:
.L_simem_size_0:
called_computation_lowered:
.L_overlay_start_0:
0x88: {  	s0 =	sld [smem:$0x3FD9]  }
0x89: {  	s1 =	sld [smem:$0x3FFE];
	_ =	sdelay $0x3  }
0x8a: {  	s0 =	sadd.s32 s1, s0  }
0x8b: {  	[smem:$0x3FC6] =	sst s0  }
0x8c: {  	_ = 	snop  }
0x8d: {  	s0 =	sld [smem:$0x3FC9]  }
0x8e: {  	s17 =	sld [smem:$0x3FC8]  }
0x8f: {  	s2 =	sld [smem:$0x3FD0];
	(tm) =	ssettm $0x1  }
0x90: {  	s3 =	sld [smem:$0x3FFB];
	_ =	sdelay $0x3  }
0x91: {  	_ =	strace s3  }
0x92: {  	s3 =	sld [smem:$0x3FFC];
	_ =	sdelay $0x3  }
0x93: {  	_ =	strace s3  }
0x94: {  	s3 =	sld [smem:$0x3FFD];
	_ =	sdelay $0x3  }
0x95: {  	_ =	strace s3  }
0x96: {  	_ =	strace $0x8FFFFFFF  }
0x97: {  	s18 =	sld [smem:$0x3FDB];
	_ =	sdelay $0x1  }
0x98: {  	s4 =	simm.s32 $_scs_section_size  }
0x99: {  	s5 =	simm.s32 $_size__tile_overlayer_lowered;
	s6 =	simm.s32 $_tile_overlayer_lowered  }
0x9a: {  	s21 =	simm.s32 $0x1BFF;
	s20 =	sshll.u32 s6, $0x1;
	s3 =	sadd.s32 s4, s18  }
0x9b: {  	s7 =	simm.s32 $0x0;
	s19 =	sshll.u32 s5, $0x1;
	s5 =	sadd.s32 s20, s3  }
0x9c: {  	[timem:s7], [sflag:s21] =	dma.local [hbm:s5], s19  }
0x9d: {  	_ =	swait.ge [sflag:s21], s19  }
0x9e: {  	s4 =	ssub.s32 $0x0, s19;
	[sflag:s21] =	ssyncset.done $0x0  }
0x9f: {  	[sflag:s21] =	ssyncadd.s32 s4;
	_ =	sdelay $0x1  }
0xa0: {  	s22 =	simm.s32 $0x1B8B  }
0xa1: {  	_ =	swait.ge [sflag:s22], $0x1  }
0xa2: {  	[sflag:s22] =	ssyncset.done $0x0  }
0xa3: {  	s23 =	simm.s32 $0x1B8E;
	[sflag:s22] =	ssyncadd.s32 $0xFFFFFFFF  }
0xa4: {  	s24 =	simm.s32 $execute0_lowered;
	[smem:$0x3FD2] =	sst s23  }
0xa5: {  	s4 =	sshll.u32 s24, $0x1;
	_ =	strace $0x80000046;
	[dreg:$0x1] =	wrdreg $0xFFFFFFFF  }
0xa6: {  	s25 =	simm.s32 $_size_execute0_lowered;
	s3 =	sadd.s32 s3, s4;
	[dreg:$0x0] =	wrdreg $0x0  }
0xa7: {  	s4 =	sshll.u32 s25, $0x1;
	[dreg:$0x2] =	wrdreg s3  }
0xa8: {  	[dreg:$0x3] =	wrdreg s4  }
0xa9: {  	[dreg:$0x4] =	wrdreg $0xC0  }
0xaa: {  	_ =	task [dreg:s7], $0x5FFFF  }
0xab: {  	[dreg:$0x1] =	wrdreg $0xFFFFFFFF  }
0xac: {  	[dreg:$0x0] =	wrdreg $0x60  }
0xad: {  	[dreg:$0x2] =	wrdreg s17  }
0xae: {  	[dreg:$0x3] =	wrdreg s0  }
0xaf: {  	[dreg:$0x4] =	wrdreg s2  }
0xb0: {  	[dreg:$0x5] =	wrdreg $0x9  }
0xb1: {  	_ =	task.clear_ibuf [dreg:s7], $0x6FFFF;
	_ =	strace $0x90000046  }
0xb2: {  	s26 =	simm.s32 $0x9;
	_ =	strace $0x80000048  }
0xb3: {  	_ =	swait.ge [sflag:s26], $0x1  }
0xb4: {  	[sflag:s26] =	ssyncadd.s32 $0xFFFFFFFF  }
0xb5: {  	_ =	strace $0x90000048  }
0xb6: {  	_ =	sfence  }
0xb7: {  	s28 =	sld [smem:$0x0];
	_ =	sdelay $0x1  }
0xb8: {  	s29 =	srdreg.scid  }
0xb9: {  	s30 =	sshll.u32 s29, $0xD;
	s31 =	sshrl.u32 s29, $0x2  }
0xba: {  	s1 =	sand.u32 $0x1, s29;
	s2 =	sand.u32 $0x4000, s30;
	s0 =	sadd.s32 s31, s28  }
0xbb: {  	s1 =	sor.u32 s2, s1;
	s0 =	sshll.u32 s0, $0x11  }
0xbc: {  	s0 =	sor.u32 s0, s1  }
0xbd: {  	s0 =	sadd.s32 $0x8F2B, s0  }
0xbe: {  	[sflag:s0] =	ssyncadd.remote.s32 $0x1  }
0xbf: {  	_ =	sfence.sel $0xFFFF  }
0xc0: {  	[dreg:$0x0] =	wrdreg $0xFFFFFFFF;
	(pc) =	sbr.abs _section_cstart, $3  }
0xc1: {  	[dreg:$0x1] =	wrdreg $0xFFFFFFFF  }
0xc2: {  	_ =	task.clear_ibuf [dreg:s7], $0x2FFFF;
	_ =	strace $0x9FFFFFFF  }
0xc3: {  	(tm) =	ssettm $0x7FFFFFFF  }
tec
execute0_lowered:
.L_overlay_start_1:
0x0: {  	(tag) =	ssettag $0x1  }
0x1: {  	s1 =	stileid.u32  }
0x2: {  	p0 =	sgt.u32 s1, $0x3  }
.Ltmp0:
0x3: {  	s4 =	rddreg [dreg:$0x0];
	(pc) =	sbr.rel @p0 .LBB2_6-.Ltmp0, $4  }
0x4: {  	s2 =	rddreg [dreg:$0x1]  }
0x5: {  	s3 =	rddreg [dreg:$0x2];
	s5 =	simm.s32 $0x0  }
0x6: {  	[smem:$0x7FF] =	sst s5  }
0x7: {  	s0 =	rddreg [dreg:$0x3];
	_ =	strace $0x80000047  }
0x8: {  	s6 =	sshll.u32 s1, $0x4  }
0x9: {  	s7 =	simm.s32 $0x80;
	s8 =	simm.s32 $0x200;
	s4 =	sadd.s32 s4, s6  }
0xa: {  	[tilespmem:s5], [sflag:$0x1] =	stream.strided.gather [hbm4b:s4+s7], $0x1000, s8, s7, $0x38;
	[tilespmem:$0x2880] =	vst v63  }
0xb: {  	s28 =	simm.s32 $0x1000;
	s29 =	simm.s32 $0x1;
	s4 =	sadd.s32 $0x800, s4  }
0xc: {  	[tilespmem:s28], [sflag:$0x2] =	stream.strided.gather [hbm4b:s4+s7], $0x1000, s8, s7, $0x38;
	[tilespmem:$0x2880] =	vst v63  }
0xd: {  	_ =	swait.ge [sflag:s29], $0x1000  }
0xe: {  	[sflag:s29] =	ssyncset.done $0x0  }
0xf: {  	s30 =	simm.s32 $0x0;
	[sflag:s29] =	ssyncadd.s32 $0xFFFFF000  }
0x10: {  	v0 =	vld [tilespmem:s30+$0x0]  }
0x11: {  	v1 =	vld [tilespmem:s30+$0x10]  }
0x12: {  	v2 =	vld [tilespmem:s30+$0x20]  }
0x13: {  	v3 =	vld [tilespmem:s30+$0x30]  }
0x14: {  	v4 =	vimm.s32 $0x0;
	v5 =	vld [tilespmem:s30+$0x40]  }
0x15: {  	v0 =	vadd.s32 v4, v0;
	v4 =	vld [tilespmem:s30+$0x50]  }
0x16: {  	v0 =	vadd.s32 v1, v0;
	v1 =	vld [tilespmem:s30+$0x60]  }
0x17: {  	v0 =	vadd.s32 v2, v0;
	v2 =	vld [tilespmem:s30+$0x70]  }
0x18: {  	v0 =	vadd.s32 v3, v0;
	v3 =	vld [tilespmem:s30+$0x80]  }
0x19: {  	v0 =	vadd.s32 v5, v0;
	v5 =	vld [tilespmem:s30+$0x90]  }
0x1a: {  	v0 =	vadd.s32 v4, v0;
	v4 =	vld [tilespmem:s30+$0xA0]  }
0x1b: {  	v1 =	vadd.s32 v1, v0;
	v0 =	vld [tilespmem:s30+$0xB0]  }
0x1c: {  	v2 =	vadd.s32 v2, v1;
	v1 =	vld [tilespmem:s30+$0xC0]  }
0x1d: {  	v3 =	vadd.s32 v3, v2;
	v2 =	vld [tilespmem:s30+$0xD0]  }
0x1e: {  	s31 =	sshll.u32 s1, $0xD;
	s3 =	sadd.s32 s3, s6;
	v5 =	vadd.s32 v5, v3;
	v3 =	vld [tilespmem:s30+$0xE0]  }
0x1f: {  	s6 =	simm.s32 $0x800;
	s5 =	simm.s32 $0x100;
	s4 =	sadd.s32 $0xFFFFFFFF, s31;
	v5 =	vadd.s32 v4, v5;
	v4 =	vld [tilespmem:s30+$0xF0]  }
.LBB2_2:
0x20: {  	p0 =	sne.s32 s6, $0x3C00;
	v6 =	vld [tilespmem:s5+$0x0];
	v0 =	vadd.s32 v0, v5  }
0x21: {  	v5 =	vld [tilespmem:s5+$0x10];
	v0 =	vadd.s32 v1, v0  }
0x22: {  	v1 =	vld [tilespmem:s5+$0x20];
	v0 =	vadd.s32 v2, v0  }
0x23: {  	v2 =	vld [tilespmem:s5+$0x30];
	v0 =	vadd.s32 v3, v0  }
0x24: {  	v3 =	vld [tilespmem:s5+$0x40];
	v0 =	vadd.s32 v4, v0  }
0x25: {  	v0 =	vadd.s32 v0, v6;
	v4 =	vld [tilespmem:s5+$0x50]  }
0x26: {  	v0 =	vadd.s32 v5, v0;
	v5 =	vld [tilespmem:s5+$0x60]  }
0x27: {  	v0 =	vadd.s32 v1, v0;
	v1 =	vld [tilespmem:s5+$0x70]  }
0x28: {  	v0 =	vadd.s32 v2, v0;
	v2 =	vld [tilespmem:s5+$0x80]  }
0x29: {  	v0 =	vadd.s32 v3, v0;
	v3 =	vld [tilespmem:s5+$0x90]  }
0x2a: {  	v0 =	vadd.s32 v4, v0;
	v4 =	vld [tilespmem:s5+$0xA0]  }
.Ltmp1:
0x2b: {  	v5 =	vadd.s32 v5, v0;
	v0 =	vld [tilespmem:s5+$0xB0];
	(pc) =	sbr.rel @p0 .LBB2_2-.Ltmp1, $4  }
0x2c: {  	v5 =	vadd.s32 v1, v5;
	v1 =	vld [tilespmem:s5+$0xC0]  }
0x2d: {  	v5 =	vadd.s32 v2, v5;
	v2 =	vld [tilespmem:s5+$0xD0]  }
0x2e: {  	v5 =	vadd.s32 v3, v5;
	v3 =	vld [tilespmem:s5+$0xE0]  }
0x2f: {  	v5 =	vadd.s32 v4, v5;
	v4 =	vld [tilespmem:s5+$0xF0];
	s5 =	sshra.s32 s6, $0x2;
	s6 =	sadd.s32 $0x400, s6  }
0x30: {  	v6 =	vld [tilespmem:s5+$0x0]  }
0x31: {  	v7 =	vld [tilespmem:s5+$0x10]  }
0x32: {  	v8 =	vld [tilespmem:s5+$0x20];
	v0 =	vadd.s32 v0, v5  }
0x33: {  	v5 =	vld [tilespmem:s5+$0x30];
	v0 =	vadd.s32 v1, v0  }
0x34: {  	v63 =	vld [tilespmem:s5+$0xA0];
	v0 =	vadd.s32 v2, v0  }
0x35: {  	v1 =	vld [tilespmem:s5+$0x40];
	v0 =	vadd.s32 v3, v0  }
0x36: {  	v2 =	vld [tilespmem:s5+$0x50];
	v0 =	vadd.s32 v4, v0  }
0x37: {  	v3 =	vld [tilespmem:s5+$0x60];
	v0 =	vadd.s32 v0, v6  }
0x38: {  	v4 =	vld [tilespmem:s5+$0x70];
	v0 =	vadd.s32 v7, v0  }
0x39: {  	v6 =	vld [tilespmem:s5+$0x80];
	v0 =	vadd.s32 v8, v0  }
0x3a: {  	v7 =	vld [tilespmem:s5+$0x90];
	v0 =	vadd.s32 v5, v0  }
0x3b: {  	v5 =	vld [tilespmem:s5+$0xB0];
	v0 =	vadd.s32 v1, v0  }
0x3c: {  	v1 =	vld [tilespmem:s5+$0xC0];
	v0 =	vadd.s32 v2, v0  }
0x3d: {  	v2 =	vld [tilespmem:s5+$0xD0];
	v0 =	vadd.s32 v3, v0  }
0x3e: {  	s31 =	simm.s32 $0x2;
	v3 =	vld [tilespmem:s5+$0xE0];
	v0 =	vadd.s32 v4, v0  }
0x3f: {  	v4 =	vld [tilespmem:s5+$0xF0];
	_ =	swait.ge [sflag:s31], $0x1000;
	v0 =	vadd.s32 v6, v0  }
0x40: {  	[sflag:s31] =	ssyncset.done $0x0;
	v0 =	vadd.s32 v7, v0  }
0x41: {  	s7 =	simm.s32 $0x0;
	[sflag:s31] =	ssyncadd.s32 $0xFFFFF000;
	v0 =	vadd.s32 v63, v0  }
0x42: {  	v0 =	vadd.s32 v5, v0;
	v5 =	vld [tilespmem:s7+$0x1000]  }
0x43: {  	v0 =	vadd.s32 v1, v0;
	v1 =	vld [tilespmem:s7+$0x1010]  }
0x44: {  	v0 =	vadd.s32 v2, v0;
	v2 =	vld [tilespmem:s7+$0x1020]  }
0x45: {  	v0 =	vadd.s32 v3, v0;
	v3 =	vld [tilespmem:s7+$0x1030]  }
0x46: {  	v0 =	vadd.s32 v4, v0;
	v4 =	vld [tilespmem:s7+$0x1040]  }
0x47: {  	v0 =	vadd.s32 v0, v5;
	v5 =	vld [tilespmem:s7+$0x1050]  }
0x48: {  	v0 =	vadd.s32 v1, v0;
	v1 =	vld [tilespmem:s7+$0x1060]  }
0x49: {  	v0 =	vadd.s32 v2, v0;
	v2 =	vld [tilespmem:s7+$0x1070]  }
0x4a: {  	v0 =	vadd.s32 v3, v0;
	v3 =	vld [tilespmem:s7+$0x1080]  }
0x4b: {  	v0 =	vadd.s32 v4, v0;
	v4 =	vld [tilespmem:s7+$0x1090]  }
0x4c: {  	v0 =	vadd.s32 v5, v0;
	v5 =	vld [tilespmem:s7+$0x10A0]  }
0x4d: {  	v1 =	vadd.s32 v1, v0;
	v0 =	vld [tilespmem:s7+$0x10B0]  }
0x4e: {  	v2 =	vadd.s32 v2, v1;
	v1 =	vld [tilespmem:s7+$0x10C0]  }
0x4f: {  	v3 =	vadd.s32 v3, v2;
	v2 =	vld [tilespmem:s7+$0x10D0]  }
0x50: {  	v4 =	vadd.s32 v4, v3;
	v3 =	vld [tilespmem:s7+$0x10E0]  }
0x51: {  	s6 =	simm.s32 $0x800;
	s5 =	simm.s32 $0x100;
	v5 =	vadd.s32 v5, v4;
	v4 =	vld [tilespmem:s7+$0x10F0]  }
.LBB2_4:
0x52: {  	p0 =	sne.s32 s6, $0x3C00;
	v6 =	vld [tilespmem:s5+$0x1000];
	v0 =	vadd.s32 v0, v5  }
0x53: {  	v5 =	vld [tilespmem:s5+$0x1010];
	v0 =	vadd.s32 v1, v0  }
0x54: {  	v1 =	vld [tilespmem:s5+$0x1020];
	v0 =	vadd.s32 v2, v0  }
0x55: {  	v2 =	vld [tilespmem:s5+$0x1030];
	v0 =	vadd.s32 v3, v0  }
0x56: {  	v3 =	vld [tilespmem:s5+$0x1040];
	v0 =	vadd.s32 v4, v0  }
0x57: {  	v0 =	vadd.s32 v0, v6;
	v4 =	vld [tilespmem:s5+$0x1050]  }
0x58: {  	v0 =	vadd.s32 v5, v0;
	v5 =	vld [tilespmem:s5+$0x1060]  }
0x59: {  	v0 =	vadd.s32 v1, v0;
	v1 =	vld [tilespmem:s5+$0x1070]  }
0x5a: {  	v0 =	vadd.s32 v2, v0;
	v2 =	vld [tilespmem:s5+$0x1080]  }
0x5b: {  	v0 =	vadd.s32 v3, v0;
	v3 =	vld [tilespmem:s5+$0x1090]  }
0x5c: {  	v0 =	vadd.s32 v4, v0;
	v4 =	vld [tilespmem:s5+$0x10A0]  }
.Ltmp2:
0x5d: {  	v5 =	vadd.s32 v5, v0;
	v0 =	vld [tilespmem:s5+$0x10B0];
	(pc) =	sbr.rel @p0 .LBB2_4-.Ltmp2, $4  }
0x5e: {  	v5 =	vadd.s32 v1, v5;
	v1 =	vld [tilespmem:s5+$0x10C0]  }
0x5f: {  	v5 =	vadd.s32 v2, v5;
	v2 =	vld [tilespmem:s5+$0x10D0]  }
0x60: {  	v5 =	vadd.s32 v3, v5;
	v3 =	vld [tilespmem:s5+$0x10E0]  }
0x61: {  	v5 =	vadd.s32 v4, v5;
	v4 =	vld [tilespmem:s5+$0x10F0];
	s5 =	sshra.s32 s6, $0x2;
	s6 =	sadd.s32 $0x400, s6  }
0x62: {  	v6 =	vld [tilespmem:s5+$0x1000];
	v0 =	vadd.s32 v0, v5  }
0x63: {  	v44 =	vld [tilespmem:s5+$0x1010];
	v0 =	vadd.s32 v1, v0  }
0x64: {  	v45 =	vld [tilespmem:s5+$0x1020];
	v0 =	vadd.s32 v2, v0  }
0x65: {  	v46 =	vld [tilespmem:s5+$0x1030];
	v0 =	vadd.s32 v3, v0  }
0x66: {  	v47 =	vld [tilespmem:s5+$0x1040];
	v0 =	vadd.s32 v4, v0  }
0x67: {  	v48 =	vld [tilespmem:s5+$0x1050];
	v0 =	vadd.s32 v0, v6  }
0x68: {  	v49 =	vld [tilespmem:s5+$0x1060];
	v0 =	vadd.s32 v44, v0  }
0x69: {  	v50 =	vld [tilespmem:s5+$0x1070];
	v0 =	vadd.s32 v45, v0  }
0x6a: {  	v51 =	vld [tilespmem:s5+$0x1080];
	v0 =	vadd.s32 v46, v0  }
0x6b: {  	v52 =	vld [tilespmem:s5+$0x1090];
	v0 =	vadd.s32 v47, v0  }
0x6c: {  	v53 =	vld [tilespmem:s5+$0x10A0];
	v0 =	vadd.s32 v48, v0  }
0x6d: {  	v54 =	vld [tilespmem:s5+$0x10B0];
	v0 =	vadd.s32 v49, v0  }
0x6e: {  	v55 =	vld [tilespmem:s5+$0x10C0];
	v0 =	vadd.s32 v50, v0  }
0x6f: {  	v56 =	vld [tilespmem:s5+$0x10D0];
	v0 =	vadd.s32 v51, v0  }
0x70: {  	v57 =	vld [tilespmem:s5+$0x10E0];
	v0 =	vadd.s32 v52, v0  }
0x71: {  	v58 =	vld [tilespmem:s5+$0x10F0];
	v0 =	vadd.s32 v53, v0  }
0x72: {  	v0 =	vadd.s32 v54, v0  }
0x73: {  	v0 =	vadd.s32 v55, v0  }
0x74: {  	v0 =	vadd.s32 v56, v0  }
0x75: {  	v0 =	vadd.s32 v57, v0  }
0x76: {  	v0 =	vadd.s32 v58, v0  }
0x77: {  	(v2sf) =	vpush v0, $0x0  }
0x78: {  	(v2sf) =	vpush v0, $0x1;
	_ =	sdelay $0x1  }
0x79: {  	(v2sf) =	vpush v0, $0x2  }
0x7a: {  	(v2sf) =	vpush v0, $0x3  }
0x7b: {  	(v2sf) =	vpush v0, $0x4  }
0x7c: {  	(v2sf) =	vpush v0, $0x5  }
0x7d: {  	(v2sf) =	vpush v0, $0x6  }
0x7e: {  	(v2sf) =	vpush v0, $0x7  }
0x7f: {  	(v2sf) =	vpush v0, $0x8  }
0x80: {  	(v2sf) =	vpush v0, $0x9  }
0x81: {  	(v2sf) =	vpush v0, $0xA  }
0x82: {  	(v2sf) =	vpush v0, $0xB  }
0x83: {  	(v2sf) =	vpush v0, $0xC  }
0x84: {  	(v2sf) =	vpush v0, $0xD  }
0x85: {  	s10 =	spop (v2sf);
	(v2sf) =	vpush v0, $0xE  }
0x86: {  	s6 =	spop (v2sf);
	(v2sf) =	vpush v0, $0xF  }
0x87: {  	s4 =	sadd.s32 s6, s4  }
0x88: {  	s11 =	spop (v2sf);
	s4 =	sadd.s32 s10, s4  }
0x89: {  	s12 =	spop (v2sf);
	s4 =	sadd.s32 s11, s4  }
0x8a: {  	s13 =	spop (v2sf);
	s4 =	sadd.s32 s12, s4  }
0x8b: {  	s14 =	spop (v2sf);
	s4 =	sadd.s32 s13, s4  }
0x8c: {  	s15 =	spop (v2sf);
	s4 =	sadd.s32 s14, s4  }
0x8d: {  	s16 =	spop (v2sf);
	s4 =	sadd.s32 s15, s4  }
0x8e: {  	s17 =	spop (v2sf);
	s4 =	sadd.s32 s16, s4  }
0x8f: {  	s18 =	spop (v2sf);
	s4 =	sadd.s32 s17, s4  }
0x90: {  	s19 =	spop (v2sf);
	s4 =	sadd.s32 s18, s4  }
0x91: {  	s20 =	spop (v2sf);
	s4 =	sadd.s32 s19, s4  }
0x92: {  	s21 =	spop (v2sf);
	s4 =	sadd.s32 s20, s4  }
0x93: {  	s22 =	spop (v2sf);
	s4 =	sadd.s32 s21, s4  }
0x94: {  	s23 =	spop (v2sf);
	s4 =	sadd.s32 s22, s4  }
0x95: {  	s24 =	spop (v2sf);
	s4 =	sadd.s32 s23, s4  }
0x96: {  	s4 =	sadd.s32 s24, s4  }
0x97: {  	v59 =	vmov s4  }
0x98: {  	[tilespmem:$0x2000] =	vst v59  }
0x99: {  	v0 =	vld.msk [tilespmem:$0x2000], $0x1;
	_ =	sdelay $0x4  }
0x9a: {  	v60 =	vshll.u32 v0, $0x4  }
0x9b: {  	v0 =	vand.u32 $0x7, v0;
	v1 =	vand.u32 $0xFFFFFF80, v60  }
0x9c: {  	v61 =	vimm.s32 $0x0;
	v62 =	vlaneseq.u32;
	v0 =	vor.u32 v0, v1  }
0x9d: {  	v63 =	vmul.u32 $0x8, v62;
	v0 =	vperm.xlane v0, v61;
	_ =	sdelay $0x1  }
0x9e: {  	v0 =	vadd.s32 v63, v0;
	_ =	sdelay $0x3  }
0x9f: {  	vm0 =	vmmov $0xffff;
	s25 =	simm.s32 $0x0;
	s26 =	simm.s32 $0x2080;
	s28 =	simm.s32 $0x1  }
0xa0: {  	[tilespmem:s26], [sflag:$0x1] =	stream.indirect_vreg.gather [hbm4b:s2+s25], $0x80, v0, vm0, $0xb8;
	[tilespmem:$0x2880] =	vst v63  }
0xa1: {  	_ =	swait.ge [sflag:s28], $0x800  }
0xa2: {  	s29 =	simm.s32 $0x80;
	[sflag:s28] =	ssyncset.done $0x0  }
0xa3: {  	s30 =	simm.s32 $0x200;
	s31 =	simm.s32 $0x3;
	[sflag:s28] =	ssyncadd.s32 $0xFFFFF800  }
0xa4: {  	[hbm4b:s3+s29] =	stream.strided.scatter [tilespmem:s26], [sflag:$0x3], $0x800, s30, s29, $0x38;
	[tilespmem:$0x2880] =	vst v63  }
0xa5: {  	_ =	swait.ge [sflag:s31], $0x800  }
0xa6: {  	[sflag:s31] =	ssyncset.done $0x0  }
0xa7: {  	[sflag:s31] =	ssyncadd.s32 $0xFFFFF800  }
.LBB2_6:
0xa8: {  	_ =	sfence.sel $0x180000  }
0xa9: {  	[bflag:$0x0] =	sbarrier.arrive $0xFFFF  }
0xaa: {  	p0 =	sne.s32 s1, $0x0;
	_ =	strace $0x90000047  }
0xab: {  	s0 =	sadd.s32 @!p0 $0x100000, s0;
	[bflag:$0x2] =	sbarrier.arrive $0xFFFF  }
0xac: {  	[sflag:s0] =	ssyncadd.tile.s32 @!p0 $0x1;
	_ =	shalt  }
.Lfunc_end2:
_tile_overlayer_lowered:
.L_overlay_start_2:
0xad: {  	(tag) =	ssettag $0x2  }
0xae: {  	s0 =	rddreg [dreg:$0x0];
	s2 =	stileid.u32  }
0xaf: {  	s1 =	rddreg [dreg:$0x1];
	p0 =	sne.s32 s2, $0x0  }
0xb0: {  	s3 =	rddreg [dreg:$0x2];
	[bflag:$0x3] =	sbarrier.arrive $0xFFFF;
	s2 =	simm.s32 @!p0 $0x1C03  }
0xb1: {  	[timem:s3], [sflag:s2] =	dma.local @!p0 [hbm:s0], s1  }
0xb2: {  	s0 =	simm.s32 @!p0 $0x3  }
0xb3: {  	_ =	swait.ge @!p0 [sflag:s0], s1  }
0xb4: {  	s1 =	ssub.s32 @!p0 $0x0, s1;
	[sflag:s0] =	ssyncset.done @!p0 $0x0  }
0xb5: {  	[sflag:s0] =	ssyncadd.s32 @!p0 s1  }
0xb6: {  	[bflag:$0x3] =	sbarrier.arrive $0xFFFF  }
0xb7: {  	_ =	shalt  }

</sc_bundles>
